<compile_context>
chip_gen: v7x
topology: tpu7x:2x2x1
jax: 0.10.2.dev20260603
libtpu: 0.0.44.dev20260713+nightly
codegen_flags: <defaults>
</compile_context>

<pallas_src>
import functools
import jax
import jax.numpy as jnp
from jax import lax
from jax.experimental import pallas as pl
from jax.experimental.pallas import tpu as pltpu
from jax.experimental.pallas import tpu_sc as plsc

_R = 128
_N = 32768
_NW = 32
_ROWS_PER_W = _R // _NW


def kernel(x):
    mesh = plsc.VectorSubcoreMesh(core_axis_name="c", subcore_axis_name="s")

    @functools.partial(
        pl.kernel,
        mesh=mesh,
        out_type=jax.ShapeDtypeStruct((_R, _N), jnp.float32),
        scratch_types=[pltpu.VMEM((_N,), jnp.float32)],
    )
    def _sc_scan(x_hbm, o_hbm, row_v):
        wid = lax.axis_index("s") * 2 + lax.axis_index("c")
        for r in range(_ROWS_PER_W):
            row = wid * _ROWS_PER_W + r
            pltpu.sync_copy(x_hbm.at[row], row_v)

            lane = lax.iota(jnp.int32, 16)
            idx15 = lane * 0 + 15
            dnums = lax.GatherDimensionNumbers(
                offset_dims=(), collapsed_slice_dims=(0,),
                start_index_map=(0,))

            def gat(v, idx):
                return lax.gather(
                    v, idx[:, None], dimension_numbers=dnums,
                    slice_sizes=(1,),
                    mode=lax.GatherScatterMode.PROMISE_IN_BOUNDS)

            zero = jnp.zeros((16,), jnp.float32)

            def body(k, carry):
                v = row_v[pl.ds(k * 16, 16)]
                for p in (1, 2, 4, 8):
                    shifted = gat(v, jnp.maximum(lane - p, 0))
                    v = v + jnp.where(lane >= p, shifted, zero)
                s = v + carry
                row_v[pl.ds(k * 16, 16)] = s
                return gat(s, idx15)

            lax.fori_loop(0, _N // 16, body, zero)
            pltpu.sync_copy(row_v, o_hbm.at[row])

    return _sc_scan(x)

# --- scband reference (transcript-rebuilt; emitter-appended) ---
"""Pipeline reference for scband-model-new-23656679867013 (READ-ONLY COPY).

The authoritative reference and input builder live on the scoring server;
editing this copy changes nothing except your own understanding.
"""

import jax, jax.numpy as jnp
import numpy as np

def setup_inputs(seed: int = 0) -> dict:
    key = jax.random.key(seed)
    x = jax.random.normal(key, (128, 32768), dtype=jnp.float32)
    return {"x": x}

def reference(x):
    # Inclusive cumulative sum along dim=1, matching torch.cumsum(x, dim=1)
    return jnp.cumsum(x, axis=1)

if __name__ == "__main__":
    import jax
    _d = setup_inputs()
    print(jax.jit(kernel)(*tuple(_d.values())))

</pallas_src>

<mosaic_0001>
#map = affine_map<(d0, d1) -> (0, 0)>
module attributes {stable_mosaic.version = 14 : i64} {
  func.func @_sc_scan(%arg0: i32, %arg1: i32, %arg2: memref<128x32768xf32, #tpu.memory_space<hbm>>, %arg3: memref<128x32768xf32, #tpu.memory_space<hbm>>, %arg4: memref<32768xf32, #tpu.memory_space<vmem>>) attributes {dimension_semantics = [#tpu.dimension_semantics<core_parallel>, #tpu.dimension_semantics<subcore_parallel>], iteration_bounds = array<i64: 2, 16>, scalar_prefetch = 0 : i64, scratch_operands = 1 : i64, tpu.core_type = #tpu.core_type<sc_vector_subcore>, window_params = [{transform_indices = #map}, {transform_indices = #map}]} {
    %mul3A = arith.constant 2 : i32
    %mul3A_0 = arith.muli %arg1, %mul3A : i32
    %add3A = arith.addi %mul3A_0, %arg0 : i32
    %mul3A_1 = arith.constant 4 : i32
    %mul3A_2 = arith.muli %add3A, %mul3A_1 : i32
    %add3A_3 = arith.constant 0 : i32
    %add3A_4 = arith.addi %mul3A_2, %add3A_3 : i32
    "tpu.region"() ({
      %run_scoped3A = tpu.sem_alloc : memref<!tpu.dma_semaphore, #tpu.memory_space<semaphore_mem>>
      %dma_start3A = arith.constant 0 : i32
      %dma_start3A_74 = tpu.memref_slice %arg2[%add3A_4, %dma_start3A] : memref<128x32768xf32, #tpu.memory_space<hbm>> -> memref<1x32768xf32, #tpu.memory_space<hbm>>
      %dma_start3A_75 = tpu.memref_squeeze %dma_start3A_74 : memref<1x32768xf32, #tpu.memory_space<hbm>> -> memref<32768xf32, #tpu.memory_space<hbm>>
      %dma_start3A_76 = arith.constant 0 : i32
      %dma_start3A_77 = tpu.memref_slice %arg2[%add3A_4, %dma_start3A_76] : memref<128x32768xf32, #tpu.memory_space<hbm>> -> memref<1x32768xf32, #tpu.memory_space<hbm>>
      %dma_start3A_78 = tpu.memref_squeeze %dma_start3A_77 : memref<1x32768xf32, #tpu.memory_space<hbm>> -> memref<32768xf32, #tpu.memory_space<hbm>>
      tpu.enqueue_dma source(%dma_start3A_78 : memref<32768xf32, #tpu.memory_space<hbm>>) target(%arg4 : memref<32768xf32, #tpu.memory_space<vmem>>) target_semaphore(%run_scoped3A : memref<!tpu.dma_semaphore, #tpu.memory_space<semaphore_mem>>)
      %dma_wait3A = arith.constant 0 : i32
      %dma_wait3A_79 = tpu.memref_slice %arg2[%add3A_4, %dma_wait3A] : memref<128x32768xf32, #tpu.memory_space<hbm>> -> memref<1x32768xf32, #tpu.memory_space<hbm>>
      %dma_wait3A_80 = tpu.memref_squeeze %dma_wait3A_79 : memref<1x32768xf32, #tpu.memory_space<hbm>> -> memref<32768xf32, #tpu.memory_space<hbm>>
      %dma_wait3A_81 = arith.constant 0 : i32
      %dma_wait3A_82 = tpu.memref_slice %arg2[%add3A_4, %dma_wait3A_81] : memref<128x32768xf32, #tpu.memory_space<hbm>> -> memref<1x32768xf32, #tpu.memory_space<hbm>>
      %dma_wait3A_83 = tpu.memref_squeeze %dma_wait3A_82 : memref<1x32768xf32, #tpu.memory_space<hbm>> -> memref<32768xf32, #tpu.memory_space<hbm>>
      tpu.wait_dma2 semaphore(%run_scoped3A : memref<!tpu.dma_semaphore, #tpu.memory_space<semaphore_mem>>) src(%dma_wait3A_83 : memref<32768xf32, #tpu.memory_space<hbm>>) dst(%arg4 : memref<32768xf32, #tpu.memory_space<vmem>>)
      tpu.yield
    }) : () -> ()
    %iota3A = tpu.iota {dimensions = array<i32: 0>} : vector<16xi32>
    %mul3A_5 = arith.constant 0 : i32
    %mul3A_6 = vector.broadcast %mul3A_5 : i32 to vector<16xi32>
    %mul3A_7 = arith.muli %iota3A, %mul3A_6 : vector<16xi32>
    %add3A_8 = arith.constant 15 : i32
    %add3A_9 = vector.broadcast %add3A_8 : i32 to vector<16xi32>
    %add3A_10 = arith.addi %mul3A_7, %add3A_9 : vector<16xi32>
    %broadcast_in_dim3A = arith.constant 0.000000e+00 : f32
    %broadcast_in_dim3A_11 = vector.broadcast %broadcast_in_dim3A : f32 to vector<16xf32>
    %scan3A = arith.constant 0 : i32
    %scan3A_12 = arith.constant 2048 : i32
    %scan3A_13 = arith.addi %scan3A, %scan3A_12 : i32
    %scan3A_14 = arith.constant 1 : i32
    %scan3A_15 = scf.for %scan3A_74 = %scan3A to %scan3A_13 step %scan3A_14 iter_args(%scan3A_75 = %broadcast_in_dim3A_11) -> (vector<16xf32>)  : i32 {
      %mul3A_76 = arith.constant 16 : i32
      %mul3A_77 = arith.muli %scan3A_74, %mul3A_76 : i32
      %get3A = arith.index_cast %mul3A_77 : i32 to index
      %get3A_78 = tpu.vector_load %arg4[%get3A] {strides = array<i32>} : memref<32768xf32, #tpu.memory_space<vmem>>, vector<16xf32>,
      %get3A_79 = vector.shape_cast %get3A_78 : vector<16xf32> to vector<16xf32>
      %sub3A = arith.constant 1 : i32
      %sub3A_80 = vector.broadcast %sub3A : i32 to vector<16xi32>
      %sub3A_81 = arith.subi %iota3A, %sub3A_80 : vector<16xi32>
      %max3A = arith.constant 0 : i32
      %max3A_82 = vector.broadcast %max3A : i32 to vector<16xi32>
      %max3A_83 = arith.maxsi %sub3A_81, %max3A_82 : vector<16xi32>
      %broadcast_in_dim3A_84 = vector.shape_cast %max3A_83 : vector<16xi32> to vector<16x1xi32>
      %gather3A = vector.shape_cast %broadcast_in_dim3A_84 : vector<16x1xi32> to vector<16xi32>
      %gather3A_85 = tpu.dynamic_gather %get3A_79[%gather3A] in [0] : vector<16xf32>, vector<16xi32> -> vector<16xf32>
      %ge3A = arith.constant 1 : i32
      %ge3A_86 = vector.broadcast %ge3A : i32 to vector<16xi32>
      %ge3A_87 = arith.cmpi sge, %iota3A, %ge3A_86 : vector<16xi32>
      %select_n3A = arith.select %ge3A_87, %gather3A_85, %broadcast_in_dim3A_11 : vector<16xi1>, vector<16xf32>
      %add3A_88 = arith.addf %get3A_79, %select_n3A : vector<16xf32>
      %sub3A_89 = arith.constant 2 : i32
      %sub3A_90 = vector.broadcast %sub3A_89 : i32 to vector<16xi32>
      %sub3A_91 = arith.subi %iota3A, %sub3A_90 : vector<16xi32>
      %max3A_92 = arith.constant 0 : i32
      %max3A_93 = vector.broadcast %max3A_92 : i32 to vector<16xi32>
      %max3A_94 = arith.maxsi %sub3A_91, %max3A_93 : vector<16xi32>
      %broadcast_in_dim3A_95 = vector.shape_cast %max3A_94 : vector<16xi32> to vector<16x1xi32>
      %gather3A_96 = vector.shape_cast %broadcast_in_dim3A_95 : vector<16x1xi32> to vector<16xi32>
      %gather3A_97 = tpu.dynamic_gather %add3A_88[%gather3A_96] in [0] : vector<16xf32>, vector<16xi32> -> vector<16xf32>
      %ge3A_98 = arith.constant 2 : i32
      %ge3A_99 = vector.broadcast %ge3A_98 : i32 to vector<16xi32>
      %ge3A_100 = arith.cmpi sge, %iota3A, %ge3A_99 : vector<16xi32>
      %select_n3A_101 = arith.select %ge3A_100, %gather3A_97, %broadcast_in_dim3A_11 : vector<16xi1>, vector<16xf32>
      %add3A_102 = arith.addf %add3A_88, %select_n3A_101 : vector<16xf32>
      %sub3A_103 = arith.constant 4 : i32
      %sub3A_104 = vector.broadcast %sub3A_103 : i32 to vector<16xi32>
      %sub3A_105 = arith.subi %iota3A, %sub3A_104 : vector<16xi32>
      %max3A_106 = arith.constant 0 : i32
      %max3A_107 = vector.broadcast %max3A_106 : i32 to vector<16xi32>
      %max3A_108 = arith.maxsi %sub3A_105, %max3A_107 : vector<16xi32>
      %broadcast_in_dim3A_109 = vector.shape_cast %max3A_108 : vector<16xi32> to vector<16x1xi32>
      %gather3A_110 = vector.shape_cast %broadcast_in_dim3A_109 : vector<16x1xi32> to vector<16xi32>
      %gather3A_111 = tpu.dynamic_gather %add3A_102[%gather3A_110] in [0] : vector<16xf32>, vector<16xi32> -> vector<16xf32>
      %ge3A_112 = arith.constant 4 : i32
      %ge3A_113 = vector.broadcast %ge3A_112 : i32 to vector<16xi32>
      %ge3A_114 = arith.cmpi sge, %iota3A, %ge3A_113 : vector<16xi32>
      %select_n3A_115 = arith.select %ge3A_114, %gather3A_111, %broadcast_in_dim3A_11 : vector<16xi1>, vector<16xf32>
      %add3A_116 = arith.addf %add3A_102, %select_n3A_115 : vector<16xf32>
      %sub3A_117 = arith.constant 8 : i32
      %sub3A_118 = vector.broadcast %sub3A_117 : i32 to vector<16xi32>
      %sub3A_119 = arith.subi %iota3A, %sub3A_118 : vector<16xi32>
      %max3A_120 = arith.constant 0 : i32
      %max3A_121 = vector.broadcast %max3A_120 : i32 to vector<16xi32>
      %max3A_122 = arith.maxsi %sub3A_119, %max3A_121 : vector<16xi32>
      %broadcast_in_dim3A_123 = vector.shape_cast %max3A_122 : vector<16xi32> to vector<16x1xi32>
      %gather3A_124 = vector.shape_cast %broadcast_in_dim3A_123 : vector<16x1xi32> to vector<16xi32>
      %gather3A_125 = tpu.dynamic_gather %add3A_116[%gather3A_124] in [0] : vector<16xf32>, vector<16xi32> -> vector<16xf32>
      %ge3A_126 = arith.constant 8 : i32
      %ge3A_127 = vector.broadcast %ge3A_126 : i32 to vector<16xi32>
      %ge3A_128 = arith.cmpi sge, %iota3A, %ge3A_127 : vector<16xi32>
      %select_n3A_129 = arith.select %ge3A_128, %gather3A_125, %broadcast_in_dim3A_11 : vector<16xi1>, vector<16xf32>
      %add3A_130 = arith.addf %add3A_116, %select_n3A_129 : vector<16xf32>
      %add3A_131 = arith.addf %add3A_130, %scan3A_75 : vector<16xf32>
      %mul3A_132 = arith.constant 16 : i32
      %mul3A_133 = arith.muli %scan3A_74, %mul3A_132 : i32
      %swap3A = arith.index_cast %mul3A_133 : i32 to index
      %swap3A_134 = tpu.vector_load %arg4[%swap3A] {strides = array<i32>} : memref<32768xf32, #tpu.memory_space<vmem>>, vector<16xf32>,
      %swap3A_135 = vector.shape_cast %swap3A_134 : vector<16xf32> to vector<16xf32>
      %swap3A_136 = vector.shape_cast %add3A_131 : vector<16xf32> to vector<16xf32>
      tpu.vector_store %arg4[%swap3A], %swap3A_136 {strides = array<i32>} : memref<32768xf32, #tpu.memory_space<vmem>>, vector<16xf32>,
      %broadcast_in_dim3A_137 = vector.shape_cast %add3A_10 : vector<16xi32> to vector<16x1xi32>
      %gather3A_138 = vector.shape_cast %broadcast_in_dim3A_137 : vector<16x1xi32> to vector<16xi32>
      %gather3A_139 = tpu.dynamic_gather %add3A_131[%gather3A_138] in [0] : vector<16xf32>, vector<16xi32> -> vector<16xf32>
      scf.yield %gather3A_139 : vector<16xf32>
    }
    %scan3A_16 = arith.constant 2048 : i32
    "tpu.region"() ({
      %run_scoped3A = tpu.sem_alloc : memref<!tpu.dma_semaphore, #tpu.memory_space<semaphore_mem>>
      %dma_start3A = arith.constant 0 : i32
      %dma_start3A_74 = tpu.memref_slice %arg3[%add3A_4, %dma_start3A] : memref<128x32768xf32, #tpu.memory_space<hbm>> -> memref<1x32768xf32, #tpu.memory_space<hbm>>
      %dma_start3A_75 = tpu.memref_squeeze %dma_start3A_74 : memref<1x32768xf32, #tpu.memory_space<hbm>> -> memref<32768xf32, #tpu.memory_space<hbm>>
      %dma_start3A_76 = arith.constant 0 : i32
      %dma_start3A_77 = tpu.memref_slice %arg3[%add3A_4, %dma_start3A_76] : memref<128x32768xf32, #tpu.memory_space<hbm>> -> memref<1x32768xf32, #tpu.memory_space<hbm>>
      %dma_start3A_78 = tpu.memref_squeeze %dma_start3A_77 : memref<1x32768xf32, #tpu.memory_space<hbm>> -> memref<32768xf32, #tpu.memory_space<hbm>>
      tpu.enqueue_dma source(%arg4 : memref<32768xf32, #tpu.memory_space<vmem>>) target(%dma_start3A_78 : memref<32768xf32, #tpu.memory_space<hbm>>) target_semaphore(%run_scoped3A : memref<!tpu.dma_semaphore, #tpu.memory_space<semaphore_mem>>)
      %dma_wait3A = arith.constant 0 : i32
      %dma_wait3A_79 = tpu.memref_slice %arg3[%add3A_4, %dma_wait3A] : memref<128x32768xf32, #tpu.memory_space<hbm>> -> memref<1x32768xf32, #tpu.memory_space<hbm>>
      %dma_wait3A_80 = tpu.memref_squeeze %dma_wait3A_79 : memref<1x32768xf32, #tpu.memory_space<hbm>> -> memref<32768xf32, #tpu.memory_space<hbm>>
      %dma_wait3A_81 = arith.constant 0 : i32
      %dma_wait3A_82 = tpu.memref_slice %arg3[%add3A_4, %dma_wait3A_81] : memref<128x32768xf32, #tpu.memory_space<hbm>> -> memref<1x32768xf32, #tpu.memory_space<hbm>>
      %dma_wait3A_83 = tpu.memref_squeeze %dma_wait3A_82 : memref<1x32768xf32, #tpu.memory_space<hbm>> -> memref<32768xf32, #tpu.memory_space<hbm>>
      tpu.wait_dma2 semaphore(%run_scoped3A : memref<!tpu.dma_semaphore, #tpu.memory_space<semaphore_mem>>) src(%arg4 : memref<32768xf32, #tpu.memory_space<vmem>>) dst(%dma_wait3A_83 : memref<32768xf32, #tpu.memory_space<hbm>>)
      tpu.yield
    }) : () -> ()
    %mul3A_17 = arith.constant 4 : i32
    %mul3A_18 = arith.muli %add3A, %mul3A_17 : i32
    %add3A_19 = arith.constant 1 : i32
    %add3A_20 = arith.addi %mul3A_18, %add3A_19 : i32
    "tpu.region"() ({
      %run_scoped3A = tpu.sem_alloc : memref<!tpu.dma_semaphore, #tpu.memory_space<semaphore_mem>>
      %dma_start3A = arith.constant 0 : i32
      %dma_start3A_74 = tpu.memref_slice %arg2[%add3A_20, %dma_start3A] : memref<128x32768xf32, #tpu.memory_space<hbm>> -> memref<1x32768xf32, #tpu.memory_space<hbm>>
      %dma_start3A_75 = tpu.memref_squeeze %dma_start3A_74 : memref<1x32768xf32, #tpu.memory_space<hbm>> -> memref<32768xf32, #tpu.memory_space<hbm>>
      %dma_start3A_76 = arith.constant 0 : i32
      %dma_start3A_77 = tpu.memref_slice %arg2[%add3A_20, %dma_start3A_76] : memref<128x32768xf32, #tpu.memory_space<hbm>> -> memref<1x32768xf32, #tpu.memory_space<hbm>>
      %dma_start3A_78 = tpu.memref_squeeze %dma_start3A_77 : memref<1x32768xf32, #tpu.memory_space<hbm>> -> memref<32768xf32, #tpu.memory_space<hbm>>
      tpu.enqueue_dma source(%dma_start3A_78 : memref<32768xf32, #tpu.memory_space<hbm>>) target(%arg4 : memref<32768xf32, #tpu.memory_space<vmem>>) target_semaphore(%run_scoped3A : memref<!tpu.dma_semaphore, #tpu.memory_space<semaphore_mem>>)
      %dma_wait3A = arith.constant 0 : i32
      %dma_wait3A_79 = tpu.memref_slice %arg2[%add3A_20, %dma_wait3A] : memref<128x32768xf32, #tpu.memory_space<hbm>> -> memref<1x32768xf32, #tpu.memory_space<hbm>>
      %dma_wait3A_80 = tpu.memref_squeeze %dma_wait3A_79 : memref<1x32768xf32, #tpu.memory_space<hbm>> -> memref<32768xf32, #tpu.memory_space<hbm>>
      %dma_wait3A_81 = arith.constant 0 : i32
      %dma_wait3A_82 = tpu.memref_slice %arg2[%add3A_20, %dma_wait3A_81] : memref<128x32768xf32, #tpu.memory_space<hbm>> -> memref<1x32768xf32, #tpu.memory_space<hbm>>
      %dma_wait3A_83 = tpu.memref_squeeze %dma_wait3A_82 : memref<1x32768xf32, #tpu.memory_space<hbm>> -> memref<32768xf32, #tpu.memory_space<hbm>>
      tpu.wait_dma2 semaphore(%run_scoped3A : memref<!tpu.dma_semaphore, #tpu.memory_space<semaphore_mem>>) src(%dma_wait3A_83 : memref<32768xf32, #tpu.memory_space<hbm>>) dst(%arg4 : memref<32768xf32, #tpu.memory_space<vmem>>)
      tpu.yield
    }) : () -> ()
    %iota3A_21 = tpu.iota {dimensions = array<i32: 0>} : vector<16xi32>
    %mul3A_22 = arith.constant 0 : i32
    %mul3A_23 = vector.broadcast %mul3A_22 : i32 to vector<16xi32>
    %mul3A_24 = arith.muli %iota3A_21, %mul3A_23 : vector<16xi32>
    %add3A_25 = arith.constant 15 : i32
    %add3A_26 = vector.broadcast %add3A_25 : i32 to vector<16xi32>
    %add3A_27 = arith.addi %mul3A_24, %add3A_26 : vector<16xi32>
    %broadcast_in_dim3A_28 = arith.constant 0.000000e+00 : f32
    %broadcast_in_dim3A_29 = vector.broadcast %broadcast_in_dim3A_28 : f32 to vector<16xf32>
    %scan3A_30 = arith.constant 0 : i32
    %scan3A_31 = arith.constant 2048 : i32
    %scan3A_32 = arith.addi %scan3A_30, %scan3A_31 : i32
    %scan3A_33 = arith.constant 1 : i32
    %scan3A_34 = scf.for %scan3A_74 = %scan3A_30 to %scan3A_32 step %scan3A_33 iter_args(%scan3A_75 = %broadcast_in_dim3A_29) -> (vector<16xf32>)  : i32 {
      %mul3A_76 = arith.constant 16 : i32
      %mul3A_77 = arith.muli %scan3A_74, %mul3A_76 : i32
      %get3A = arith.index_cast %mul3A_77 : i32 to index
      %get3A_78 = tpu.vector_load %arg4[%get3A] {strides = array<i32>} : memref<32768xf32, #tpu.memory_space<vmem>>, vector<16xf32>,
      %get3A_79 = vector.shape_cast %get3A_78 : vector<16xf32> to vector<16xf32>
      %sub3A = arith.constant 1 : i32
      %sub3A_80 = vector.broadcast %sub3A : i32 to vector<16xi32>
      %sub3A_81 = arith.subi %iota3A_21, %sub3A_80 : vector<16xi32>
      %max3A = arith.constant 0 : i32
      %max3A_82 = vector.broadcast %max3A : i32 to vector<16xi32>
      %max3A_83 = arith.maxsi %sub3A_81, %max3A_82 : vector<16xi32>
      %broadcast_in_dim3A_84 = vector.shape_cast %max3A_83 : vector<16xi32> to vector<16x1xi32>
      %gather3A = vector.shape_cast %broadcast_in_dim3A_84 : vector<16x1xi32> to vector<16xi32>
      %gather3A_85 = tpu.dynamic_gather %get3A_79[%gather3A] in [0] : vector<16xf32>, vector<16xi32> -> vector<16xf32>
      %ge3A = arith.constant 1 : i32
      %ge3A_86 = vector.broadcast %ge3A : i32 to vector<16xi32>
      %ge3A_87 = arith.cmpi sge, %iota3A_21, %ge3A_86 : vector<16xi32>
      %select_n3A = arith.select %ge3A_87, %gather3A_85, %broadcast_in_dim3A_29 : vector<16xi1>, vector<16xf32>
      %add3A_88 = arith.addf %get3A_79, %select_n3A : vector<16xf32>
      %sub3A_89 = arith.constant 2 : i32
      %sub3A_90 = vector.broadcast %sub3A_89 : i32 to vector<16xi32>
      %sub3A_91 = arith.subi %iota3A_21, %sub3A_90 : vector<16xi32>
      %max3A_92 = arith.constant 0 : i32
      %max3A_93 = vector.broadcast %max3A_92 : i32 to vector<16xi32>
      %max3A_94 = arith.maxsi %sub3A_91, %max3A_93 : vector<16xi32>
      %broadcast_in_dim3A_95 = vector.shape_cast %max3A_94 : vector<16xi32> to vector<16x1xi32>
      %gather3A_96 = vector.shape_cast %broadcast_in_dim3A_95 : vector<16x1xi32> to vector<16xi32>
      %gather3A_97 = tpu.dynamic_gather %add3A_88[%gather3A_96] in [0] : vector<16xf32>, vector<16xi32> -> vector<16xf32>
      %ge3A_98 = arith.constant 2 : i32
      %ge3A_99 = vector.broadcast %ge3A_98 : i32 to vector<16xi32>
      %ge3A_100 = arith.cmpi sge, %iota3A_21, %ge3A_99 : vector<16xi32>
      %select_n3A_101 = arith.select %ge3A_100, %gather3A_97, %broadcast_in_dim3A_29 : vector<16xi1>, vector<16xf32>
      %add3A_102 = arith.addf %add3A_88, %select_n3A_101 : vector<16xf32>
      %sub3A_103 = arith.constant 4 : i32
      %sub3A_104 = vector.broadcast %sub3A_103 : i32 to vector<16xi32>
      %sub3A_105 = arith.subi %iota3A_21, %sub3A_104 : vector<16xi32>
      %max3A_106 = arith.constant 0 : i32
      %max3A_107 = vector.broadcast %max3A_106 : i32 to vector<16xi32>
      %max3A_108 = arith.maxsi %sub3A_105, %max3A_107 : vector<16xi32>
      %broadcast_in_dim3A_109 = vector.shape_cast %max3A_108 : vector<16xi32> to vector<16x1xi32>
      %gather3A_110 = vector.shape_cast %broadcast_in_dim3A_109 : vector<16x1xi32> to vector<16xi32>
      %gather3A_111 = tpu.dynamic_gather %add3A_102[%gather3A_110] in [0] : vector<16xf32>, vector<16xi32> -> vector<16xf32>
      %ge3A_112 = arith.constant 4 : i32
      %ge3A_113 = vector.broadcast %ge3A_112 : i32 to vector<16xi32>
      %ge3A_114 = arith.cmpi sge, %iota3A_21, %ge3A_113 : vector<16xi32>
      %select_n3A_115 = arith.select %ge3A_114, %gather3A_111, %broadcast_in_dim3A_29 : vector<16xi1>, vector<16xf32>
      %add3A_116 = arith.addf %add3A_102, %select_n3A_115 : vector<16xf32>
      %sub3A_117 = arith.constant 8 : i32
      %sub3A_118 = vector.broadcast %sub3A_117 : i32 to vector<16xi32>
      %sub3A_119 = arith.subi %iota3A_21, %sub3A_118 : vector<16xi32>
      %max3A_120 = arith.constant 0 : i32
      %max3A_121 = vector.broadcast %max3A_120 : i32 to vector<16xi32>
      %max3A_122 = arith.maxsi %sub3A_119, %max3A_121 : vector<16xi32>
      %broadcast_in_dim3A_123 = vector.shape_cast %max3A_122 : vector<16xi32> to vector<16x1xi32>
      %gather3A_124 = vector.shape_cast %broadcast_in_dim3A_123 : vector<16x1xi32> to vector<16xi32>
      %gather3A_125 = tpu.dynamic_gather %add3A_116[%gather3A_124] in [0] : vector<16xf32>, vector<16xi32> -> vector<16xf32>
      %ge3A_126 = arith.constant 8 : i32
      %ge3A_127 = vector.broadcast %ge3A_126 : i32 to vector<16xi32>
      %ge3A_128 = arith.cmpi sge, %iota3A_21, %ge3A_127 : vector<16xi32>
      %select_n3A_129 = arith.select %ge3A_128, %gather3A_125, %broadcast_in_dim3A_29 : vector<16xi1>, vector<16xf32>
      %add3A_130 = arith.addf %add3A_116, %select_n3A_129 : vector<16xf32>
      %add3A_131 = arith.addf %add3A_130, %scan3A_75 : vector<16xf32>
      %mul3A_132 = arith.constant 16 : i32
      %mul3A_133 = arith.muli %scan3A_74, %mul3A_132 : i32
      %swap3A = arith.index_cast %mul3A_133 : i32 to index
      %swap3A_134 = tpu.vector_load %arg4[%swap3A] {strides = array<i32>} : memref<32768xf32, #tpu.memory_space<vmem>>, vector<16xf32>,
      %swap3A_135 = vector.shape_cast %swap3A_134 : vector<16xf32> to vector<16xf32>
      %swap3A_136 = vector.shape_cast %add3A_131 : vector<16xf32> to vector<16xf32>
      tpu.vector_store %arg4[%swap3A], %swap3A_136 {strides = array<i32>} : memref<32768xf32, #tpu.memory_space<vmem>>, vector<16xf32>,
      %broadcast_in_dim3A_137 = vector.shape_cast %add3A_27 : vector<16xi32> to vector<16x1xi32>
      %gather3A_138 = vector.shape_cast %broadcast_in_dim3A_137 : vector<16x1xi32> to vector<16xi32>
      %gather3A_139 = tpu.dynamic_gather %add3A_131[%gather3A_138] in [0] : vector<16xf32>, vector<16xi32> -> vector<16xf32>
      scf.yield %gather3A_139 : vector<16xf32>
    }
    %scan3A_35 = arith.constant 2048 : i32
    "tpu.region"() ({
      %run_scoped3A = tpu.sem_alloc : memref<!tpu.dma_semaphore, #tpu.memory_space<semaphore_mem>>
      %dma_start3A = arith.constant 0 : i32
      %dma_start3A_74 = tpu.memref_slice %arg3[%add3A_20, %dma_start3A] : memref<128x32768xf32, #tpu.memory_space<hbm>> -> memref<1x32768xf32, #tpu.memory_space<hbm>>
      %dma_start3A_75 = tpu.memref_squeeze %dma_start3A_74 : memref<1x32768xf32, #tpu.memory_space<hbm>> -> memref<32768xf32, #tpu.memory_space<hbm>>
      %dma_start3A_76 = arith.constant 0 : i32
      %dma_start3A_77 = tpu.memref_slice %arg3[%add3A_20, %dma_start3A_76] : memref<128x32768xf32, #tpu.memory_space<hbm>> -> memref<1x32768xf32, #tpu.memory_space<hbm>>
      %dma_start3A_78 = tpu.memref_squeeze %dma_start3A_77 : memref<1x32768xf32, #tpu.memory_space<hbm>> -> memref<32768xf32, #tpu.memory_space<hbm>>
      tpu.enqueue_dma source(%arg4 : memref<32768xf32, #tpu.memory_space<vmem>>) target(%dma_start3A_78 : memref<32768xf32, #tpu.memory_space<hbm>>) target_semaphore(%run_scoped3A : memref<!tpu.dma_semaphore, #tpu.memory_space<semaphore_mem>>)
      %dma_wait3A = arith.constant 0 : i32
      %dma_wait3A_79 = tpu.memref_slice %arg3[%add3A_20, %dma_wait3A] : memref<128x32768xf32, #tpu.memory_space<hbm>> -> memref<1x32768xf32, #tpu.memory_space<hbm>>
      %dma_wait3A_80 = tpu.memref_squeeze %dma_wait3A_79 : memref<1x32768xf32, #tpu.memory_space<hbm>> -> memref<32768xf32, #tpu.memory_space<hbm>>
      %dma_wait3A_81 = arith.constant 0 : i32
      %dma_wait3A_82 = tpu.memref_slice %arg3[%add3A_20, %dma_wait3A_81] : memref<128x32768xf32, #tpu.memory_space<hbm>> -> memref<1x32768xf32, #tpu.memory_space<hbm>>
      %dma_wait3A_83 = tpu.memref_squeeze %dma_wait3A_82 : memref<1x32768xf32, #tpu.memory_space<hbm>> -> memref<32768xf32, #tpu.memory_space<hbm>>
      tpu.wait_dma2 semaphore(%run_scoped3A : memref<!tpu.dma_semaphore, #tpu.memory_space<semaphore_mem>>) src(%arg4 : memref<32768xf32, #tpu.memory_space<vmem>>) dst(%dma_wait3A_83 : memref<32768xf32, #tpu.memory_space<hbm>>)
      tpu.yield
    }) : () -> ()
    %mul3A_36 = arith.constant 4 : i32
    %mul3A_37 = arith.muli %add3A, %mul3A_36 : i32
    %add3A_38 = arith.constant 2 : i32
    %add3A_39 = arith.addi %mul3A_37, %add3A_38 : i32
    "tpu.region"() ({
      %run_scoped3A = tpu.sem_alloc : memref<!tpu.dma_semaphore, #tpu.memory_space<semaphore_mem>>
      %dma_start3A = arith.constant 0 : i32
      %dma_start3A_74 = tpu.memref_slice %arg2[%add3A_39, %dma_start3A] : memref<128x32768xf32, #tpu.memory_space<hbm>> -> memref<1x32768xf32, #tpu.memory_space<hbm>>
      %dma_start3A_75 = tpu.memref_squeeze %dma_start3A_74 : memref<1x32768xf32, #tpu.memory_space<hbm>> -> memref<32768xf32, #tpu.memory_space<hbm>>
      %dma_start3A_76 = arith.constant 0 : i32
      %dma_start3A_77 = tpu.memref_slice %arg2[%add3A_39, %dma_start3A_76] : memref<128x32768xf32, #tpu.memory_space<hbm>> -> memref<1x32768xf32, #tpu.memory_space<hbm>>
      %dma_start3A_78 = tpu.memref_squeeze %dma_start3A_77 : memref<1x32768xf32, #tpu.memory_space<hbm>> -> memref<32768xf32, #tpu.memory_space<hbm>>
      tpu.enqueue_dma source(%dma_start3A_78 : memref<32768xf32, #tpu.memory_space<hbm>>) target(%arg4 : memref<32768xf32, #tpu.memory_space<vmem>>) target_semaphore(%run_scoped3A : memref<!tpu.dma_semaphore, #tpu.memory_space<semaphore_mem>>)
      %dma_wait3A = arith.constant 0 : i32
      %dma_wait3A_79 = tpu.memref_slice %arg2[%add3A_39, %dma_wait3A] : memref<128x32768xf32, #tpu.memory_space<hbm>> -> memref<1x32768xf32, #tpu.memory_space<hbm>>
      %dma_wait3A_80 = tpu.memref_squeeze %dma_wait3A_79 : memref<1x32768xf32, #tpu.memory_space<hbm>> -> memref<32768xf32, #tpu.memory_space<hbm>>
      %dma_wait3A_81 = arith.constant 0 : i32
      %dma_wait3A_82 = tpu.memref_slice %arg2[%add3A_39, %dma_wait3A_81] : memref<128x32768xf32, #tpu.memory_space<hbm>> -> memref<1x32768xf32, #tpu.memory_space<hbm>>
      %dma_wait3A_83 = tpu.memref_squeeze %dma_wait3A_82 : memref<1x32768xf32, #tpu.memory_space<hbm>> -> memref<32768xf32, #tpu.memory_space<hbm>>
      tpu.wait_dma2 semaphore(%run_scoped3A : memref<!tpu.dma_semaphore, #tpu.memory_space<semaphore_mem>>) src(%dma_wait3A_83 : memref<32768xf32, #tpu.memory_space<hbm>>) dst(%arg4 : memref<32768xf32, #tpu.memory_space<vmem>>)
      tpu.yield
    }) : () -> ()
    %iota3A_40 = tpu.iota {dimensions = array<i32: 0>} : vector<16xi32>
    %mul3A_41 = arith.constant 0 : i32
    %mul3A_42 = vector.broadcast %mul3A_41 : i32 to vector<16xi32>
    %mul3A_43 = arith.muli %iota3A_40, %mul3A_42 : vector<16xi32>
    %add3A_44 = arith.constant 15 : i32
    %add3A_45 = vector.broadcast %add3A_44 : i32 to vector<16xi32>
    %add3A_46 = arith.addi %mul3A_43, %add3A_45 : vector<16xi32>
    %broadcast_in_dim3A_47 = arith.constant 0.000000e+00 : f32
    %broadcast_in_dim3A_48 = vector.broadcast %broadcast_in_dim3A_47 : f32 to vector<16xf32>
    %scan3A_49 = arith.constant 0 : i32
    %scan3A_50 = arith.constant 2048 : i32
    %scan3A_51 = arith.addi %scan3A_49, %scan3A_50 : i32
    %scan3A_52 = arith.constant 1 : i32
    %scan3A_53 = scf.for %scan3A_74 = %scan3A_49 to %scan3A_51 step %scan3A_52 iter_args(%scan3A_75 = %broadcast_in_dim3A_48) -> (vector<16xf32>)  : i32 {
      %mul3A_76 = arith.constant 16 : i32
      %mul3A_77 = arith.muli %scan3A_74, %mul3A_76 : i32
      %get3A = arith.index_cast %mul3A_77 : i32 to index
      %get3A_78 = tpu.vector_load %arg4[%get3A] {strides = array<i32>} : memref<32768xf32, #tpu.memory_space<vmem>>, vector<16xf32>,
      %get3A_79 = vector.shape_cast %get3A_78 : vector<16xf32> to vector<16xf32>
      %sub3A = arith.constant 1 : i32
      %sub3A_80 = vector.broadcast %sub3A : i32 to vector<16xi32>
      %sub3A_81 = arith.subi %iota3A_40, %sub3A_80 : vector<16xi32>
      %max3A = arith.constant 0 : i32
      %max3A_82 = vector.broadcast %max3A : i32 to vector<16xi32>
      %max3A_83 = arith.maxsi %sub3A_81, %max3A_82 : vector<16xi32>
      %broadcast_in_dim3A_84 = vector.shape_cast %max3A_83 : vector<16xi32> to vector<16x1xi32>
      %gather3A = vector.shape_cast %broadcast_in_dim3A_84 : vector<16x1xi32> to vector<16xi32>
      %gather3A_85 = tpu.dynamic_gather %get3A_79[%gather3A] in [0] : vector<16xf32>, vector<16xi32> -> vector<16xf32>
      %ge3A = arith.constant 1 : i32
      %ge3A_86 = vector.broadcast %ge3A : i32 to vector<16xi32>
      %ge3A_87 = arith.cmpi sge, %iota3A_40, %ge3A_86 : vector<16xi32>
      %select_n3A = arith.select %ge3A_87, %gather3A_85, %broadcast_in_dim3A_48 : vector<16xi1>, vector<16xf32>
      %add3A_88 = arith.addf %get3A_79, %select_n3A : vector<16xf32>
      %sub3A_89 = arith.constant 2 : i32
      %sub3A_90 = vector.broadcast %sub3A_89 : i32 to vector<16xi32>
      %sub3A_91 = arith.subi %iota3A_40, %sub3A_90 : vector<16xi32>
      %max3A_92 = arith.constant 0 : i32
      %max3A_93 = vector.broadcast %max3A_92 : i32 to vector<16xi32>
      %max3A_94 = arith.maxsi %sub3A_91, %max3A_93 : vector<16xi32>
      %broadcast_in_dim3A_95 = vector.shape_cast %max3A_94 : vector<16xi32> to vector<16x1xi32>
      %gather3A_96 = vector.shape_cast %broadcast_in_dim3A_95 : vector<16x1xi32> to vector<16xi32>
      %gather3A_97 = tpu.dynamic_gather %add3A_88[%gather3A_96] in [0] : vector<16xf32>, vector<16xi32> -> vector<16xf32>
      %ge3A_98 = arith.constant 2 : i32
      %ge3A_99 = vector.broadcast %ge3A_98 : i32 to vector<16xi32>
      %ge3A_100 = arith.cmpi sge, %iota3A_40, %ge3A_99 : vector<16xi32>
      %select_n3A_101 = arith.select %ge3A_100, %gather3A_97, %broadcast_in_dim3A_48 : vector<16xi1>, vector<16xf32>
      %add3A_102 = arith.addf %add3A_88, %select_n3A_101 : vector<16xf32>
      %sub3A_103 = arith.constant 4 : i32
      %sub3A_104 = vector.broadcast %sub3A_103 : i32 to vector<16xi32>
      %sub3A_105 = arith.subi %iota3A_40, %sub3A_104 : vector<16xi32>
      %max3A_106 = arith.constant 0 : i32
      %max3A_107 = vector.broadcast %max3A_106 : i32 to vector<16xi32>
      %max3A_108 = arith.maxsi %sub3A_105, %max3A_107 : vector<16xi32>
      %broadcast_in_dim3A_109 = vector.shape_cast %max3A_108 : vector<16xi32> to vector<16x1xi32>
      %gather3A_110 = vector.shape_cast %broadcast_in_dim3A_109 : vector<16x1xi32> to vector<16xi32>
      %gather3A_111 = tpu.dynamic_gather %add3A_102[%gather3A_110] in [0] : vector<16xf32>, vector<16xi32> -> vector<16xf32>
      %ge3A_112 = arith.constant 4 : i32
      %ge3A_113 = vector.broadcast %ge3A_112 : i32 to vector<16xi32>
      %ge3A_114 = arith.cmpi sge, %iota3A_40, %ge3A_113 : vector<16xi32>
      %select_n3A_115 = arith.select %ge3A_114, %gather3A_111, %broadcast_in_dim3A_48 : vector<16xi1>, vector<16xf32>
      %add3A_116 = arith.addf %add3A_102, %select_n3A_115 : vector<16xf32>
      %sub3A_117 = arith.constant 8 : i32
      %sub3A_118 = vector.broadcast %sub3A_117 : i32 to vector<16xi32>
      %sub3A_119 = arith.subi %iota3A_40, %sub3A_118 : vector<16xi32>
      %max3A_120 = arith.constant 0 : i32
      %max3A_121 = vector.broadcast %max3A_120 : i32 to vector<16xi32>
      %max3A_122 = arith.maxsi %sub3A_119, %max3A_121 : vector<16xi32>
      %broadcast_in_dim3A_123 = vector.shape_cast %max3A_122 : vector<16xi32> to vector<16x1xi32>
      %gather3A_124 = vector.shape_cast %broadcast_in_dim3A_123 : vector<16x1xi32> to vector<16xi32>
      %gather3A_125 = tpu.dynamic_gather %add3A_116[%gather3A_124] in [0] : vector<16xf32>, vector<16xi32> -> vector<16xf32>
      %ge3A_126 = arith.constant 8 : i32
      %ge3A_127 = vector.broadcast %ge3A_126 : i32 to vector<16xi32>
      %ge3A_128 = arith.cmpi sge, %iota3A_40, %ge3A_127 : vector<16xi32>
      %select_n3A_129 = arith.select %ge3A_128, %gather3A_125, %broadcast_in_dim3A_48 : vector<16xi1>, vector<16xf32>
      %add3A_130 = arith.addf %add3A_116, %select_n3A_129 : vector<16xf32>
      %add3A_131 = arith.addf %add3A_130, %scan3A_75 : vector<16xf32>
      %mul3A_132 = arith.constant 16 : i32
      %mul3A_133 = arith.muli %scan3A_74, %mul3A_132 : i32
      %swap3A = arith.index_cast %mul3A_133 : i32 to index
      %swap3A_134 = tpu.vector_load %arg4[%swap3A] {strides = array<i32>} : memref<32768xf32, #tpu.memory_space<vmem>>, vector<16xf32>,
      %swap3A_135 = vector.shape_cast %swap3A_134 : vector<16xf32> to vector<16xf32>
      %swap3A_136 = vector.shape_cast %add3A_131 : vector<16xf32> to vector<16xf32>
      tpu.vector_store %arg4[%swap3A], %swap3A_136 {strides = array<i32>} : memref<32768xf32, #tpu.memory_space<vmem>>, vector<16xf32>,
      %broadcast_in_dim3A_137 = vector.shape_cast %add3A_46 : vector<16xi32> to vector<16x1xi32>
      %gather3A_138 = vector.shape_cast %broadcast_in_dim3A_137 : vector<16x1xi32> to vector<16xi32>
      %gather3A_139 = tpu.dynamic_gather %add3A_131[%gather3A_138] in [0] : vector<16xf32>, vector<16xi32> -> vector<16xf32>
      scf.yield %gather3A_139 : vector<16xf32>
    }
    %scan3A_54 = arith.constant 2048 : i32
    "tpu.region"() ({
      %run_scoped3A = tpu.sem_alloc : memref<!tpu.dma_semaphore, #tpu.memory_space<semaphore_mem>>
      %dma_start3A = arith.constant 0 : i32
      %dma_start3A_74 = tpu.memref_slice %arg3[%add3A_39, %dma_start3A] : memref<128x32768xf32, #tpu.memory_space<hbm>> -> memref<1x32768xf32, #tpu.memory_space<hbm>>
      %dma_start3A_75 = tpu.memref_squeeze %dma_start3A_74 : memref<1x32768xf32, #tpu.memory_space<hbm>> -> memref<32768xf32, #tpu.memory_space<hbm>>
      %dma_start3A_76 = arith.constant 0 : i32
      %dma_start3A_77 = tpu.memref_slice %arg3[%add3A_39, %dma_start3A_76] : memref<128x32768xf32, #tpu.memory_space<hbm>> -> memref<1x32768xf32, #tpu.memory_space<hbm>>
      %dma_start3A_78 = tpu.memref_squeeze %dma_start3A_77 : memref<1x32768xf32, #tpu.memory_space<hbm>> -> memref<32768xf32, #tpu.memory_space<hbm>>
      tpu.enqueue_dma source(%arg4 : memref<32768xf32, #tpu.memory_space<vmem>>) target(%dma_start3A_78 : memref<32768xf32, #tpu.memory_space<hbm>>) target_semaphore(%run_scoped3A : memref<!tpu.dma_semaphore, #tpu.memory_space<semaphore_mem>>)
      %dma_wait3A = arith.constant 0 : i32
      %dma_wait3A_79 = tpu.memref_slice %arg3[%add3A_39, %dma_wait3A] : memref<128x32768xf32, #tpu.memory_space<hbm>> -> memref<1x32768xf32, #tpu.memory_space<hbm>>
      %dma_wait3A_80 = tpu.memref_squeeze %dma_wait3A_79 : memref<1x32768xf32, #tpu.memory_space<hbm>> -> memref<32768xf32, #tpu.memory_space<hbm>>
      %dma_wait3A_81 = arith.constant 0 : i32
      %dma_wait3A_82 = tpu.memref_slice %arg3[%add3A_39, %dma_wait3A_81] : memref<128x32768xf32, #tpu.memory_space<hbm>> -> memref<1x32768xf32, #tpu.memory_space<hbm>>
      %dma_wait3A_83 = tpu.memref_squeeze %dma_wait3A_82 : memref<1x32768xf32, #tpu.memory_space<hbm>> -> memref<32768xf32, #tpu.memory_space<hbm>>
      tpu.wait_dma2 semaphore(%run_scoped3A : memref<!tpu.dma_semaphore, #tpu.memory_space<semaphore_mem>>) src(%arg4 : memref<32768xf32, #tpu.memory_space<vmem>>) dst(%dma_wait3A_83 : memref<32768xf32, #tpu.memory_space<hbm>>)
      tpu.yield
    }) : () -> ()
    %mul3A_55 = arith.constant 4 : i32
    %mul3A_56 = arith.muli %add3A, %mul3A_55 : i32
    %add3A_57 = arith.constant 3 : i32
    %add3A_58 = arith.addi %mul3A_56, %add3A_57 : i32
    "tpu.region"() ({
      %run_scoped3A = tpu.sem_alloc : memref<!tpu.dma_semaphore, #tpu.memory_space<semaphore_mem>>
      %dma_start3A = arith.constant 0 : i32
      %dma_start3A_74 = tpu.memref_slice %arg2[%add3A_58, %dma_start3A] : memref<128x32768xf32, #tpu.memory_space<hbm>> -> memref<1x32768xf32, #tpu.memory_space<hbm>>
      %dma_start3A_75 = tpu.memref_squeeze %dma_start3A_74 : memref<1x32768xf32, #tpu.memory_space<hbm>> -> memref<32768xf32, #tpu.memory_space<hbm>>
      %dma_start3A_76 = arith.constant 0 : i32
      %dma_start3A_77 = tpu.memref_slice %arg2[%add3A_58, %dma_start3A_76] : memref<128x32768xf32, #tpu.memory_space<hbm>> -> memref<1x32768xf32, #tpu.memory_space<hbm>>
      %dma_start3A_78 = tpu.memref_squeeze %dma_start3A_77 : memref<1x32768xf32, #tpu.memory_space<hbm>> -> memref<32768xf32, #tpu.memory_space<hbm>>
      tpu.enqueue_dma source(%dma_start3A_78 : memref<32768xf32, #tpu.memory_space<hbm>>) target(%arg4 : memref<32768xf32, #tpu.memory_space<vmem>>) target_semaphore(%run_scoped3A : memref<!tpu.dma_semaphore, #tpu.memory_space<semaphore_mem>>)
      %dma_wait3A = arith.constant 0 : i32
      %dma_wait3A_79 = tpu.memref_slice %arg2[%add3A_58, %dma_wait3A] : memref<128x32768xf32, #tpu.memory_space<hbm>> -> memref<1x32768xf32, #tpu.memory_space<hbm>>
      %dma_wait3A_80 = tpu.memref_squeeze %dma_wait3A_79 : memref<1x32768xf32, #tpu.memory_space<hbm>> -> memref<32768xf32, #tpu.memory_space<hbm>>
      %dma_wait3A_81 = arith.constant 0 : i32
      %dma_wait3A_82 = tpu.memref_slice %arg2[%add3A_58, %dma_wait3A_81] : memref<128x32768xf32, #tpu.memory_space<hbm>> -> memref<1x32768xf32, #tpu.memory_space<hbm>>
      %dma_wait3A_83 = tpu.memref_squeeze %dma_wait3A_82 : memref<1x32768xf32, #tpu.memory_space<hbm>> -> memref<32768xf32, #tpu.memory_space<hbm>>
      tpu.wait_dma2 semaphore(%run_scoped3A : memref<!tpu.dma_semaphore, #tpu.memory_space<semaphore_mem>>) src(%dma_wait3A_83 : memref<32768xf32, #tpu.memory_space<hbm>>) dst(%arg4 : memref<32768xf32, #tpu.memory_space<vmem>>)
      tpu.yield
    }) : () -> ()
    %iota3A_59 = tpu.iota {dimensions = array<i32: 0>} : vector<16xi32>
    %mul3A_60 = arith.constant 0 : i32
    %mul3A_61 = vector.broadcast %mul3A_60 : i32 to vector<16xi32>
    %mul3A_62 = arith.muli %iota3A_59, %mul3A_61 : vector<16xi32>
    %add3A_63 = arith.constant 15 : i32
    %add3A_64 = vector.broadcast %add3A_63 : i32 to vector<16xi32>
    %add3A_65 = arith.addi %mul3A_62, %add3A_64 : vector<16xi32>
    %broadcast_in_dim3A_66 = arith.constant 0.000000e+00 : f32
    %broadcast_in_dim3A_67 = vector.broadcast %broadcast_in_dim3A_66 : f32 to vector<16xf32>
    %scan3A_68 = arith.constant 0 : i32
    %scan3A_69 = arith.constant 2048 : i32
    %scan3A_70 = arith.addi %scan3A_68, %scan3A_69 : i32
    %scan3A_71 = arith.constant 1 : i32
    %scan3A_72 = scf.for %scan3A_74 = %scan3A_68 to %scan3A_70 step %scan3A_71 iter_args(%scan3A_75 = %broadcast_in_dim3A_67) -> (vector<16xf32>)  : i32 {
      %mul3A_76 = arith.constant 16 : i32
      %mul3A_77 = arith.muli %scan3A_74, %mul3A_76 : i32
      %get3A = arith.index_cast %mul3A_77 : i32 to index
      %get3A_78 = tpu.vector_load %arg4[%get3A] {strides = array<i32>} : memref<32768xf32, #tpu.memory_space<vmem>>, vector<16xf32>,
      %get3A_79 = vector.shape_cast %get3A_78 : vector<16xf32> to vector<16xf32>
      %sub3A = arith.constant 1 : i32
      %sub3A_80 = vector.broadcast %sub3A : i32 to vector<16xi32>
      %sub3A_81 = arith.subi %iota3A_59, %sub3A_80 : vector<16xi32>
      %max3A = arith.constant 0 : i32
      %max3A_82 = vector.broadcast %max3A : i32 to vector<16xi32>
      %max3A_83 = arith.maxsi %sub3A_81, %max3A_82 : vector<16xi32>
      %broadcast_in_dim3A_84 = vector.shape_cast %max3A_83 : vector<16xi32> to vector<16x1xi32>
      %gather3A = vector.shape_cast %broadcast_in_dim3A_84 : vector<16x1xi32> to vector<16xi32>
      %gather3A_85 = tpu.dynamic_gather %get3A_79[%gather3A] in [0] : vector<16xf32>, vector<16xi32> -> vector<16xf32>
      %ge3A = arith.constant 1 : i32
      %ge3A_86 = vector.broadcast %ge3A : i32 to vector<16xi32>
      %ge3A_87 = arith.cmpi sge, %iota3A_59, %ge3A_86 : vector<16xi32>
      %select_n3A = arith.select %ge3A_87, %gather3A_85, %broadcast_in_dim3A_67 : vector<16xi1>, vector<16xf32>
      %add3A_88 = arith.addf %get3A_79, %select_n3A : vector<16xf32>
      %sub3A_89 = arith.constant 2 : i32
      %sub3A_90 = vector.broadcast %sub3A_89 : i32 to vector<16xi32>
      %sub3A_91 = arith.subi %iota3A_59, %sub3A_90 : vector<16xi32>
      %max3A_92 = arith.constant 0 : i32
      %max3A_93 = vector.broadcast %max3A_92 : i32 to vector<16xi32>
      %max3A_94 = arith.maxsi %sub3A_91, %max3A_93 : vector<16xi32>
      %broadcast_in_dim3A_95 = vector.shape_cast %max3A_94 : vector<16xi32> to vector<16x1xi32>
      %gather3A_96 = vector.shape_cast %broadcast_in_dim3A_95 : vector<16x1xi32> to vector<16xi32>
      %gather3A_97 = tpu.dynamic_gather %add3A_88[%gather3A_96] in [0] : vector<16xf32>, vector<16xi32> -> vector<16xf32>
      %ge3A_98 = arith.constant 2 : i32
      %ge3A_99 = vector.broadcast %ge3A_98 : i32 to vector<16xi32>
      %ge3A_100 = arith.cmpi sge, %iota3A_59, %ge3A_99 : vector<16xi32>
      %select_n3A_101 = arith.select %ge3A_100, %gather3A_97, %broadcast_in_dim3A_67 : vector<16xi1>, vector<16xf32>
      %add3A_102 = arith.addf %add3A_88, %select_n3A_101 : vector<16xf32>
      %sub3A_103 = arith.constant 4 : i32
      %sub3A_104 = vector.broadcast %sub3A_103 : i32 to vector<16xi32>
      %sub3A_105 = arith.subi %iota3A_59, %sub3A_104 : vector<16xi32>
      %max3A_106 = arith.constant 0 : i32
      %max3A_107 = vector.broadcast %max3A_106 : i32 to vector<16xi32>
      %max3A_108 = arith.maxsi %sub3A_105, %max3A_107 : vector<16xi32>
      %broadcast_in_dim3A_109 = vector.shape_cast %max3A_108 : vector<16xi32> to vector<16x1xi32>
      %gather3A_110 = vector.shape_cast %broadcast_in_dim3A_109 : vector<16x1xi32> to vector<16xi32>
      %gather3A_111 = tpu.dynamic_gather %add3A_102[%gather3A_110] in [0] : vector<16xf32>, vector<16xi32> -> vector<16xf32>
      %ge3A_112 = arith.constant 4 : i32
      %ge3A_113 = vector.broadcast %ge3A_112 : i32 to vector<16xi32>
      %ge3A_114 = arith.cmpi sge, %iota3A_59, %ge3A_113 : vector<16xi32>
      %select_n3A_115 = arith.select %ge3A_114, %gather3A_111, %broadcast_in_dim3A_67 : vector<16xi1>, vector<16xf32>
      %add3A_116 = arith.addf %add3A_102, %select_n3A_115 : vector<16xf32>
      %sub3A_117 = arith.constant 8 : i32
      %sub3A_118 = vector.broadcast %sub3A_117 : i32 to vector<16xi32>
      %sub3A_119 = arith.subi %iota3A_59, %sub3A_118 : vector<16xi32>
      %max3A_120 = arith.constant 0 : i32
      %max3A_121 = vector.broadcast %max3A_120 : i32 to vector<16xi32>
      %max3A_122 = arith.maxsi %sub3A_119, %max3A_121 : vector<16xi32>
      %broadcast_in_dim3A_123 = vector.shape_cast %max3A_122 : vector<16xi32> to vector<16x1xi32>
      %gather3A_124 = vector.shape_cast %broadcast_in_dim3A_123 : vector<16x1xi32> to vector<16xi32>
      %gather3A_125 = tpu.dynamic_gather %add3A_116[%gather3A_124] in [0] : vector<16xf32>, vector<16xi32> -> vector<16xf32>
      %ge3A_126 = arith.constant 8 : i32
      %ge3A_127 = vector.broadcast %ge3A_126 : i32 to vector<16xi32>
      %ge3A_128 = arith.cmpi sge, %iota3A_59, %ge3A_127 : vector<16xi32>
      %select_n3A_129 = arith.select %ge3A_128, %gather3A_125, %broadcast_in_dim3A_67 : vector<16xi1>, vector<16xf32>
      %add3A_130 = arith.addf %add3A_116, %select_n3A_129 : vector<16xf32>
      %add3A_131 = arith.addf %add3A_130, %scan3A_75 : vector<16xf32>
      %mul3A_132 = arith.constant 16 : i32
      %mul3A_133 = arith.muli %scan3A_74, %mul3A_132 : i32
      %swap3A = arith.index_cast %mul3A_133 : i32 to index
      %swap3A_134 = tpu.vector_load %arg4[%swap3A] {strides = array<i32>} : memref<32768xf32, #tpu.memory_space<vmem>>, vector<16xf32>,
      %swap3A_135 = vector.shape_cast %swap3A_134 : vector<16xf32> to vector<16xf32>
      %swap3A_136 = vector.shape_cast %add3A_131 : vector<16xf32> to vector<16xf32>
      tpu.vector_store %arg4[%swap3A], %swap3A_136 {strides = array<i32>} : memref<32768xf32, #tpu.memory_space<vmem>>, vector<16xf32>,
      %broadcast_in_dim3A_137 = vector.shape_cast %add3A_65 : vector<16xi32> to vector<16x1xi32>
      %gather3A_138 = vector.shape_cast %broadcast_in_dim3A_137 : vector<16x1xi32> to vector<16xi32>
      %gather3A_139 = tpu.dynamic_gather %add3A_131[%gather3A_138] in [0] : vector<16xf32>, vector<16xi32> -> vector<16xf32>
      scf.yield %gather3A_139 : vector<16xf32>
    }
    %scan3A_73 = arith.constant 2048 : i32
    "tpu.region"() ({
      %run_scoped3A = tpu.sem_alloc : memref<!tpu.dma_semaphore, #tpu.memory_space<semaphore_mem>>
      %dma_start3A = arith.constant 0 : i32
      %dma_start3A_74 = tpu.memref_slice %arg3[%add3A_58, %dma_start3A] : memref<128x32768xf32, #tpu.memory_space<hbm>> -> memref<1x32768xf32, #tpu.memory_space<hbm>>
      %dma_start3A_75 = tpu.memref_squeeze %dma_start3A_74 : memref<1x32768xf32, #tpu.memory_space<hbm>> -> memref<32768xf32, #tpu.memory_space<hbm>>
      %dma_start3A_76 = arith.constant 0 : i32
      %dma_start3A_77 = tpu.memref_slice %arg3[%add3A_58, %dma_start3A_76] : memref<128x32768xf32, #tpu.memory_space<hbm>> -> memref<1x32768xf32, #tpu.memory_space<hbm>>
      %dma_start3A_78 = tpu.memref_squeeze %dma_start3A_77 : memref<1x32768xf32, #tpu.memory_space<hbm>> -> memref<32768xf32, #tpu.memory_space<hbm>>
      tpu.enqueue_dma source(%arg4 : memref<32768xf32, #tpu.memory_space<vmem>>) target(%dma_start3A_78 : memref<32768xf32, #tpu.memory_space<hbm>>) target_semaphore(%run_scoped3A : memref<!tpu.dma_semaphore, #tpu.memory_space<semaphore_mem>>)
      %dma_wait3A = arith.constant 0 : i32
      %dma_wait3A_79 = tpu.memref_slice %arg3[%add3A_58, %dma_wait3A] : memref<128x32768xf32, #tpu.memory_space<hbm>> -> memref<1x32768xf32, #tpu.memory_space<hbm>>
      %dma_wait3A_80 = tpu.memref_squeeze %dma_wait3A_79 : memref<1x32768xf32, #tpu.memory_space<hbm>> -> memref<32768xf32, #tpu.memory_space<hbm>>
      %dma_wait3A_81 = arith.constant 0 : i32
      %dma_wait3A_82 = tpu.memref_slice %arg3[%add3A_58, %dma_wait3A_81] : memref<128x32768xf32, #tpu.memory_space<hbm>> -> memref<1x32768xf32, #tpu.memory_space<hbm>>
      %dma_wait3A_83 = tpu.memref_squeeze %dma_wait3A_82 : memref<1x32768xf32, #tpu.memory_space<hbm>> -> memref<32768xf32, #tpu.memory_space<hbm>>
      tpu.wait_dma2 semaphore(%run_scoped3A : memref<!tpu.dma_semaphore, #tpu.memory_space<semaphore_mem>>) src(%arg4 : memref<32768xf32, #tpu.memory_space<vmem>>) dst(%dma_wait3A_83 : memref<32768xf32, #tpu.memory_space<hbm>>)
      tpu.yield
    }) : () -> ()
    return
  }
}

</mosaic_0001>

<sc_bundles>
// kernel: kernel.3.cloned.1.call-start
scs
__scs_entry_jumppad:
0x0: {  	(pc) =	sbr.rel $0x88, $3  }
0x1: {  	(tag) =	ssettag $0x0;
	lr =	simm.s32 $0x1  }
0x2: {  	[smem:$0x3FA0] =	sst lr;
	_ =	strace $0xD0000000  }
0x3: {  	_ = 	snop  }
0x4: {  	_ = 	snop  }
0x5: {  	_ = 	snop  }
0x6: {  	_ = 	snop  }
0x7: {  	_ = 	snop  }
__scs_overlays_trampoline_lowered:
0x8: {  	[smem:$0x3FAF] =	sst s0  }
0x9: {  	[smem:$0x3FB0] =	sst s1  }
0xa: {  	[smem:$0x3FB1] =	sst s2  }
0xb: {  	[smem:$0x3FB2] =	sst s3  }
0xc: {  	[smem:$0x3FB3] =	sst s4  }
0xd: {  	[smem:$0x3FB4] =	sst s5  }
0xe: {  	[smem:$0x3FB5] =	sst s6  }
0xf: {  	[smem:$0x3FB6] =	sst s7  }
0x10: {  	[smem:$0x3FB7] =	sst s8  }
0x11: {  	[smem:$0x3FB8] =	sst s9;
	s0 =	simm.s32 @!p0 $0x0  }
0x12: {  	s1 =	sld [smem:$0x3F9E];
	s0 =	simm.s32 @p0 $0x1  }
0x13: {  	[smem:$0x3FB9] =	sst s0;
	s0 =	simm.s32 @!p1 $0x0  }
0x14: {  	s2 =	sld [smem:$0x3F9D];
	s0 =	simm.s32 @p1 $0x1  }
0x15: {  	[smem:$0x3FBA] =	sst s0;
	s0 =	simm.s32 @!p2 $0x0  }
0x16: {  	s3 =	sld [smem:$0x3FDB];
	s0 =	simm.s32 @p2 $0x1  }
0x17: {  	s4 =	simm.s32 $0x1BF5;
	[smem:$0x3FBC] =	sst s0  }
0x18: {  	s0 =	sld [smem:$0x3F9F];
	_ =	swait.ge [sflag:s4], $0x0  }
0x19: {  	s7 =	sld [smem:$0x3FA0]  }
0x1a: {  	s8 =	sadd.s32 $0xFFFFE003, lr  }
0x1b: {  	s9 =	sadd.s32 $0xFFFFFEF7, lr;
	s5 =	simm.s32 $0xFFFFFFFF;
	p2 =	slt.u32 s8, $0xFFFFF086  }
0x1c: {  	p1 =	slt.u32 s9, $0xF7A;
	s5 =	simm.s32 @!p2 $0x0  }
0x1d: {  	s5 =	simm.s32 @p1 $0x1;
	p0 =	seq.s32 s7, s2  }
0x1e: {  	s7 =	smul.u32 @!p0 $0xF7A, s2;
	p2 =	seq.s32 @!p0 s5, $0x0  }
0x1f: {  	s9 =	smul.u32 $0xF7A, s1;
	s8 =	simm.s32 @!p0 $0x1BF5;
	p2 =	por !p2, p0  }
0x20: {  	[sflag:s8] =	ssyncset.s32 @!p0 $0xFFFFF086;
	s6 =	sadd.s32 @!p0 s3, s7;
	s7 =	simm.s32 @!p0 $0x108  }
0x21: {  	s3 =	sadd.s32 s3, s9;
	s6 =	sadd.s32 @!p0 $0x88, s6;
	s7 =	simm.s32 @p2 $0x1082  }
0x22: {  	[simem:s7], [sflag:s8] =	dma.local @!p0 [hbm:s6], $0xF7A  }
0x23: {  	s9 =	sor.u32 $0xD0000000, s2;
	s6 =	simm.s32 $0x108;
	_ =	swait.ge @!p0 [sflag:s8], $0x0  }
0x24: {  	s3 =	sadd.s32 $0x88, s3;
	s6 =	simm.s32 @!p1 $0x1082;
	[sflag:s4] =	ssyncset.s32 $0xFFFFF086  }
0x25: {  	[simem:s6], [sflag:s4] =	dma.local [hbm:s3], $0xF7A  }
0x26: {  	[smem:$0x3FA0] =	sst s1;
	(tag) =	ssettag s2;
	_ =	strace s9  }
0x27: {  	s1 =	sld [smem:$0x3FB0]  }
0x28: {  	s2 =	sld [smem:$0x3FB1]  }
0x29: {  	s4 =	sld [smem:$0x3FB3]  }
0x2a: {  	p0 =	seq.s32 s5, $0x0;
	s5 =	sld [smem:$0x3FB4]  }
0x2b: {  	s6 =	sld [smem:$0x3FB5]  }
0x2c: {  	s7 =	sld [smem:$0x3FB6]  }
0x2d: {  	s3 =	simm.s32 $0x108;
	s8 =	sld [smem:$0x3FB7]  }
0x2e: {  	s3 =	simm.s32 @!p0 $0x1082;
	s9 =	sld [smem:$0x3FB8]  }
0x2f: {  	lr =	sadd.s32 s0, s3;
	s0 =	sld [smem:$0x3FAF]  }
0x30: {  	s3 =	sld [smem:$0x3FB2]  }
0x31: {  	[smem:$0x3FBB] =	sst s10  }
0x32: {  	s10 =	sld [smem:$0x3FB9];
	_ =	sdelay $0x3  }
0x33: {  	p0 =	seq.s32 s10, $0x1;
	s10 =	sld [smem:$0x3FBB];
	_ =	sdelay $0x3  }
0x34: {  	[smem:$0x3FBB] =	sst s10  }
0x35: {  	s10 =	sld [smem:$0x3FBA];
	_ =	sdelay $0x3  }
0x36: {  	p1 =	seq.s32 s10, $0x1;
	s10 =	sld [smem:$0x3FBB];
	_ =	sdelay $0x3  }
0x37: {  	[smem:$0x3FBB] =	sst s10  }
0x38: {  	s10 =	sld [smem:$0x3FBC]  }
0x39: {  	_ = 	snop;
	(pc) =	sbr.ind lr, $3  }
0x3a: {  	_ = 	snop  }
0x3b: {  	_ = 	snop  }
0x3c: {  	p2 =	seq.s32 s10, $0x1;
	s10 =	sld [smem:$0x3FBB]  }
0x3d: {  	_ =	shalt  }
0x3e: {  	_ =	shalt  }
0x3f: {  	_ =	shalt  }
0x40: {  	_ =	shalt  }
0x41: {  	_ =	shalt  }
0x42: {  	_ =	shalt  }
0x43: {  	_ =	shalt  }
0x44: {  	_ =	shalt  }
0x45: {  	_ =	shalt  }
0x46: {  	_ =	shalt  }
0x47: {  	_ =	shalt  }
0x48: {  	_ =	shalt  }
0x49: {  	_ =	shalt  }
0x4a: {  	_ =	shalt  }
0x4b: {  	_ =	shalt  }
0x4c: {  	_ =	shalt  }
0x4d: {  	_ =	shalt  }
0x4e: {  	_ =	shalt  }
0x4f: {  	_ =	shalt  }
0x50: {  	_ =	shalt  }
0x51: {  	_ =	shalt  }
0x52: {  	_ =	shalt  }
0x53: {  	_ =	shalt  }
0x54: {  	_ =	shalt  }
0x55: {  	_ =	shalt  }
0x56: {  	_ =	shalt  }
0x57: {  	_ =	shalt  }
0x58: {  	_ =	shalt  }
0x59: {  	_ =	shalt  }
0x5a: {  	_ =	shalt  }
0x5b: {  	_ =	shalt  }
0x5c: {  	_ =	shalt  }
0x5d: {  	_ =	shalt  }
0x5e: {  	_ =	shalt  }
0x5f: {  	_ =	shalt  }
0x60: {  	_ =	shalt  }
0x61: {  	_ =	shalt  }
0x62: {  	_ =	shalt  }
0x63: {  	_ =	shalt  }
0x64: {  	_ =	shalt  }
0x65: {  	_ =	shalt  }
0x66: {  	_ =	shalt  }
0x67: {  	_ =	shalt  }
0x68: {  	_ =	shalt  }
0x69: {  	_ =	shalt  }
0x6a: {  	_ =	shalt  }
0x6b: {  	_ =	shalt  }
0x6c: {  	_ =	shalt  }
0x6d: {  	_ =	shalt  }
0x6e: {  	_ =	shalt  }
0x6f: {  	_ =	shalt  }
0x70: {  	_ =	shalt  }
0x71: {  	_ =	shalt  }
0x72: {  	_ =	shalt  }
0x73: {  	_ =	shalt  }
0x74: {  	_ =	shalt  }
0x75: {  	_ =	shalt  }
0x76: {  	_ =	shalt  }
0x77: {  	_ =	shalt  }
0x78: {  	_ =	shalt  }
0x79: {  	_ =	shalt  }
0x7a: {  	_ =	shalt  }
0x7b: {  	_ =	shalt  }
0x7c: {  	_ =	shalt  }
0x7d: {  	_ =	shalt  }
0x7e: {  	_ =	shalt  }
0x7f: {  	_ =	shalt  }
0x80: {  	_ =	shalt  }
0x81: {  	_ =	shalt  }
0x82: {  	_ =	shalt  }
0x83: {  	_ =	shalt  }
0x84: {  	_ =	shalt  }
0x85: {  	_ =	shalt  }
0x86: {  	_ =	shalt  }
0x87: {  	_ =	shalt  }
.Lfunc_end0:
.L_simem_size_0:
called_computation_lowered:
.L_overlay_start_0:
0x88: {  	s2 =	sld [smem:$0x3FD9]  }
0x89: {  	s3 =	sld [smem:$0x3FFE];
	_ =	sdelay $0x1  }
0x8a: {  	s1 =	srdreg.scid  }
0x8b: {  	s0 =	sand.u32 $0x1, s1  }
0x8c: {  	s18 =	sshll.u32 s0, $0xA;
	s2 =	sadd.s32 s3, s2  }
0x8d: {  	s2 =	sadd.s32 s2, s18  }
0x8e: {  	[smem:$0x3FC7] =	sst s2  }
0x8f: {  	_ = 	snop  }
0x90: {  	s2 =	sld [smem:$0x3FC9]  }
0x91: {  	s19 =	sld [smem:$0x3FD0];
	(tm) =	ssettm $0x1  }
0x92: {  	s4 =	sld [smem:$0x3FFB];
	_ =	sdelay $0x3  }
0x93: {  	_ =	strace s4  }
0x94: {  	s4 =	sld [smem:$0x3FFC];
	_ =	sdelay $0x3  }
0x95: {  	_ =	strace s4  }
0x96: {  	s4 =	sld [smem:$0x3FFD];
	_ =	sdelay $0x3  }
0x97: {  	_ =	strace s4  }
0x98: {  	_ =	strace $0x8FFFFFFF  }
0x99: {  	s20 =	sld [smem:$0x3FDB];
	_ =	sdelay $0x1  }
0x9a: {  	s5 =	simm.s32 $_scs_section_size  }
0x9b: {  	s6 =	simm.s32 $_size__tile_overlayer_lowered;
	s7 =	simm.s32 $_tile_overlayer_lowered  }
0x9c: {  	s23 =	simm.s32 $0x1BFF;
	s22 =	sshll.u32 s7, $0x1;
	s4 =	sadd.s32 s5, s20  }
0x9d: {  	s8 =	simm.s32 $0x0;
	s21 =	sshll.u32 s6, $0x1;
	s6 =	sadd.s32 s22, s4  }
0x9e: {  	[timem:s8], [sflag:s23] =	dma.local [hbm:s6], s21  }
0x9f: {  	_ =	swait.ge [sflag:s23], s21  }
0xa0: {  	s5 =	ssub.s32 $0x0, s21;
	[sflag:s23] =	ssyncset.done $0x0  }
0xa1: {  	[sflag:s23] =	ssyncadd.s32 s5;
	_ =	sdelay $0x1  }
0xa2: {  	s24 =	simm.s32 $0x1B8B  }
0xa3: {  	_ =	swait.ge [sflag:s24], $0x1  }
0xa4: {  	[sflag:s24] =	ssyncset.done $0x0  }
0xa5: {  	s25 =	simm.s32 $0x1B8E;
	[sflag:s24] =	ssyncadd.s32 $0xFFFFFFFF  }
0xa6: {  	s26 =	simm.s32 $execute0_lowered;
	[smem:$0x3FD2] =	sst s25  }
0xa7: {  	s5 =	sshll.u32 s26, $0x1;
	_ =	strace $0x80000046;
	[dreg:$0x1] =	wrdreg $0xFFFFFFFF  }
0xa8: {  	s28 =	simm.s32 $_size_execute0_lowered;
	s4 =	sadd.s32 s4, s5;
	[dreg:$0x0] =	wrdreg $0x0  }
0xa9: {  	s5 =	sshll.u32 s28, $0x1;
	[dreg:$0x2] =	wrdreg s4  }
0xaa: {  	[dreg:$0x3] =	wrdreg s5  }
0xab: {  	[dreg:$0x4] =	wrdreg $0xC0  }
0xac: {  	_ =	task [dreg:s8], $0x5FFFF  }
0xad: {  	[dreg:$0x1] =	wrdreg $0xFFFFFFFF  }
0xae: {  	[dreg:$0x0] =	wrdreg $0x60  }
0xaf: {  	[dreg:$0x2] =	wrdreg s2  }
0xb0: {  	[dreg:$0x3] =	wrdreg s19  }
0xb1: {  	[dreg:$0x4] =	wrdreg $0x9  }
0xb2: {  	_ =	task.clear_ibuf [dreg:s8], $0x5FFFF;
	_ =	strace $0x90000046  }
0xb3: {  	s29 =	simm.s32 $0x9;
	_ =	strace $0x80000048  }
0xb4: {  	_ =	swait.ge [sflag:s29], $0x1  }
0xb5: {  	[sflag:s29] =	ssyncadd.s32 $0xFFFFFFFF  }
0xb6: {  	_ =	strace $0x90000048  }
0xb7: {  	_ =	sfence  }
0xb8: {  	s30 =	sld [smem:$0x0];
	_ =	sdelay $0x2  }
0xb9: {  	s31 =	sshll.u32 s1, $0xD;
	s1 =	sshrl.u32 s1, $0x2  }
0xba: {  	s3 =	sand.u32 $0x4000, s31;
	s1 =	sadd.s32 s1, s30  }
0xbb: {  	s0 =	sor.u32 s3, s0;
	s1 =	sshll.u32 s1, $0x11  }
0xbc: {  	s0 =	sor.u32 s1, s0  }
0xbd: {  	s0 =	sadd.s32 $0x8F2B, s0  }
0xbe: {  	[sflag:s0] =	ssyncadd.remote.s32 $0x1  }
0xbf: {  	_ =	sfence.sel $0xFFFF  }
0xc0: {  	[dreg:$0x0] =	wrdreg $0xFFFFFFFF;
	(pc) =	sbr.abs _section_cstart, $3  }
0xc1: {  	[dreg:$0x1] =	wrdreg $0xFFFFFFFF  }
0xc2: {  	_ =	task.clear_ibuf [dreg:s8], $0x2FFFF;
	_ =	strace $0x9FFFFFFF  }
0xc3: {  	(tm) =	ssettm $0x7FFFFFFF  }
tec
execute0_lowered:
.L_overlay_start_1:
0x0: {  	(tag) =	ssettag $0x1  }
0x1: {  	v0 =	vimm.s32 $0x65432100;
	v1 =	vimm.s32 $0xEDCBA987  }
0x2: {  	s9 =	rddreg [dreg:$0x0];
	v2 =	vimm.s32 $0x54321000;
	v3 =	vimm.s32 $0xDCBA9876;
	v4 =	vimm.s32 $0xBA987654  }
0x3: {  	s10 =	rddreg [dreg:$0x1];
	v5 =	vimm.s32 $0x32100000;
	v6 =	vimm.s32 $0xE40000;
	v0 =	vunpack.c.l.s4.s8 v0  }
0x4: {  	s0 =	rddreg [dreg:$0x2];
	s3 =	srdreg.scid;
	v1 =	vunpack.c.l.s4.s8 v1;
	v2 =	vunpack.c.l.s4.s8 v2;
	v3 =	vunpack.c.l.s4.s8 v3  }
0x5: {  	s2 =	simm.s32 $0x0;
	s1 =	stileid.u32;
	s13 =	simm.s32 $0x400;
	v4 =	vunpack.c.l.s4.s8 v4;
	v5 =	vunpack.c.l.s4.s8 v5;
	v6 =	vunpack.c.l.s2.s4 v6  }
0x6: {  	s14 =	simm.s32 $0x1;
	s15 =	simm.s32 $0x0;
	s3 =	sand.u32 $0x1, s3;
	v0 =	vunpack.c.0.s8.s32 v0;
	v1 =	vunpack.c.0.s8.s32 v1;
	v3 =	vunpack.c.0.s8.s32 v3  }
0x7: {  	s5 =	sshll.u32 s1, $0xF;
	s4 =	ssub.s32 $0x2, s3;
	s3 =	sshll.u32 s3, $0x6;
	v2 =	vunpack.c.0.s8.s32 v2;
	v4 =	vunpack.c.0.s8.s32 v4;
	v5 =	vunpack.c.0.s8.s32 v5  }
0x8: {  	[smem:$0x7FF] =	sst s2;
	s6 =	sshrl.u32 s4, $0x1;
	s7 =	sor.u32 s3, s5;
	v6 =	vunpack.c.l.s4.s8 v6;
	v1 =	vand.u32 $0xF, v1;
	v3 =	vand.u32 $0xF, v3  }
0x9: {  	_ =	strace $0x80000047;
	s11 =	ssub.s32 s4, s6;
	s31 =	sor.u32 $0x10, s7;
	v0 =	vcombine.low v0, v1;
	v1 =	vcombine.low v2, v3;
	v2 =	vand.u32 $0xF, v4  }
0xa: {  	s3 =	sadd.s32 s9, s7;
	s4 =	sadd.s32 s10, s7;
	s8 =	sor.u32 $0x20, s7;
	v4 =	vimm.s32 $0x7060504;
	v2 =	vcombine.low v5, v2;
	v5 =	vunpack.c.0.s8.s32 v6  }
0xb: {  	vm0 =	vmmov $0x3;
	vm1 =	vmmov $0xf;
	s12 =	sor.u32 $0x30, s7;
	s5 =	sadd.s32 s9, s31;
	s6 =	sadd.s32 s10, s31;
	v4 =	vunpack.c.0.s8.s32 v4  }
0xc: {  	vm2 =	vcmask $0x3F30;
	s7 =	sadd.s32 s9, s8;
	s8 =	sadd.s32 s10, s8;
	s9 =	sadd.s32 s9, s12;
	v3 =	vlaneseq.u32;
	v5 =	vand.u32 $0x3, v5  }
0xd: {  	s10 =	sadd.s32 s10, s12;
	s11 =	smax.u32 s11, $0x1;
	s12 =	simm.s32 $0x80;
	v4 =	vsel vm2, v4, v5;
	vm2 =	vmmov $0xff;
	v5 =	vimm.s32 $0xF  }
.LBB2_1:
0xe: {  	[tilespmem:s2], [sflag:$0x1] =	stream.strided.gather [hbm4b:s3+s12], $0x8000, s13, s12, $0x38;
	[tilespmem:$0x8000] =	vst v63  }
0xf: {  	_ =	swait.ge [sflag:s14], $0x8000  }
0x10: {  	[sflag:s14] =	ssyncset.done $0x0  }
0x11: {  	v6 =	vimm.f32 $0.0e+00;
	s16 =	simm.s32 $0x0;
	s17 =	simm.s32 $0x40;
	[sflag:s14] =	ssyncadd.s32 $0xFFFF8000  }
.LBB2_2:
0x12: {  	p0 =	sne.s32 s17, $0x1FFC0;
	v7 =	vld [tilespmem:s16+$0x0];
	_ =	sdelay $0x4  }
0x13: {  	v8 =	vperm.xlane v7, v0  }
0x14: {  	vm3 =	veq.s32 v3, $0x0  }
0x15: {  	v8 =	vsel vm3, $0x0, v8  }
0x16: {  	v7 =	vadd.f32 v8, v7;
	_ =	sdelay $0x1  }
0x17: {  	v8 =	vperm.xlane v7, v1;
	_ =	sdelay $0x1  }
0x18: {  	v8 =	vsel vm0, $0x0, v8  }
0x19: {  	v7 =	vadd.f32 v8, v7;
	_ =	sdelay $0x1  }
0x1a: {  	v8 =	vperm.xlane v7, v2;
	_ =	sdelay $0x1  }
0x1b: {  	v8 =	vsel vm1, $0x0, v8  }
0x1c: {  	v7 =	vadd.f32 v8, v7;
	_ =	sdelay $0x1  }
0x1d: {  	v8 =	vperm.xlane v7, v4;
	_ =	sdelay $0x1  }
0x1e: {  	v8 =	vsel vm2, $0x0, v8  }
.Ltmp0:
0x1f: {  	v7 =	vadd.f32 v8, v7;
	(pc) =	sbr.rel @p0 .LBB2_2-.Ltmp0, $3  }
0x20: {  	_ = 	snop  }
0x21: {  	v6 =	vadd.f32 v7, v6;
	_ =	sdelay $0x1  }
0x22: {  	[tilespmem:s16+$0x0] =	vst v6;
	s16 =	sshra.s32 s17, $0x2;
	s17 =	sadd.s32 $0x40, s17;
	v6 =	vperm.xlane v6, v5  }
0x23: {  	v7 =	vld [tilespmem:s16+$0x0];
	_ =	sdelay $0x4  }
0x24: {  	v8 =	vperm.xlane v7, v0;
	_ =	sdelay $0x1  }
0x25: {  	v8 =	vsel vm3, $0x0, v8  }
0x26: {  	v7 =	vadd.f32 v8, v7;
	_ =	sdelay $0x1  }
0x27: {  	v8 =	vperm.xlane v7, v1;
	_ =	sdelay $0x1  }
0x28: {  	v8 =	vsel vm0, $0x0, v8  }
0x29: {  	v7 =	vadd.f32 v8, v7;
	_ =	sdelay $0x1  }
0x2a: {  	v8 =	vperm.xlane v7, v2;
	_ =	sdelay $0x1  }
0x2b: {  	v8 =	vsel vm1, $0x0, v8  }
0x2c: {  	v7 =	vadd.f32 v8, v7;
	_ =	sdelay $0x1  }
0x2d: {  	v8 =	vperm.xlane v7, v4;
	_ =	sdelay $0x1  }
0x2e: {  	v8 =	vsel vm2, $0x0, v8  }
0x2f: {  	v7 =	vadd.f32 v8, v7;
	_ =	sdelay $0x1  }
0x30: {  	v6 =	vadd.f32 v7, v6;
	_ =	sdelay $0x1  }
0x31: {  	s31 =	simm.s32 $0x0;
	[tilespmem:s16+$0x0] =	vst v6  }
0x32: {  	[hbm4b:s4+s12] =	stream.strided.scatter [tilespmem:s31], [sflag:$0x1], $0x8000, s13, s12, $0x38;
	[tilespmem:$0x8000] =	vst v63  }
0x33: {  	_ =	swait.ge [sflag:s14], $0x8000  }
0x34: {  	[sflag:s14] =	ssyncset.done $0x0  }
0x35: {  	[sflag:s14] =	ssyncadd.s32 $0xFFFF8000  }
0x36: {  	[tilespmem:s31], [sflag:$0x1] =	stream.strided.gather [hbm4b:s5+s12], $0x8000, s13, s12, $0x38;
	[tilespmem:$0x8000] =	vst v63  }
0x37: {  	_ =	swait.ge [sflag:s14], $0x8000  }
0x38: {  	[sflag:s14] =	ssyncset.done $0x0  }
0x39: {  	s17 =	simm.s32 $0x40;
	v6 =	vimm.f32 $0.0e+00;
	s16 =	simm.s32 $0x0;
	[sflag:s14] =	ssyncadd.s32 $0xFFFF8000  }
.LBB2_4:
0x3a: {  	p0 =	sne.s32 s17, $0x1FFC0;
	v7 =	vld [tilespmem:s16+$0x0];
	_ =	sdelay $0x4  }
0x3b: {  	v8 =	vperm.xlane v7, v0  }
0x3c: {  	vm3 =	veq.s32 v3, $0x0  }
0x3d: {  	v8 =	vsel vm3, $0x0, v8  }
0x3e: {  	v7 =	vadd.f32 v8, v7;
	_ =	sdelay $0x1  }
0x3f: {  	v8 =	vperm.xlane v7, v1;
	_ =	sdelay $0x1  }
0x40: {  	v8 =	vsel vm0, $0x0, v8  }
0x41: {  	v7 =	vadd.f32 v8, v7;
	_ =	sdelay $0x1  }
0x42: {  	v8 =	vperm.xlane v7, v2;
	_ =	sdelay $0x1  }
0x43: {  	v8 =	vsel vm1, $0x0, v8  }
0x44: {  	v7 =	vadd.f32 v8, v7;
	_ =	sdelay $0x1  }
0x45: {  	v8 =	vperm.xlane v7, v4;
	_ =	sdelay $0x1  }
0x46: {  	v8 =	vsel vm2, $0x0, v8  }
.Ltmp1:
0x47: {  	v7 =	vadd.f32 v8, v7;
	(pc) =	sbr.rel @p0 .LBB2_4-.Ltmp1, $3  }
0x48: {  	_ = 	snop  }
0x49: {  	v6 =	vadd.f32 v7, v6;
	_ =	sdelay $0x1  }
0x4a: {  	[tilespmem:s16+$0x0] =	vst v6;
	s16 =	sshra.s32 s17, $0x2;
	s17 =	sadd.s32 $0x40, s17;
	v6 =	vperm.xlane v6, v5  }
0x4b: {  	v7 =	vld [tilespmem:s16+$0x0];
	_ =	sdelay $0x4  }
0x4c: {  	v8 =	vperm.xlane v7, v0;
	_ =	sdelay $0x1  }
0x4d: {  	v8 =	vsel vm3, $0x0, v8  }
0x4e: {  	v7 =	vadd.f32 v8, v7;
	_ =	sdelay $0x1  }
0x4f: {  	v8 =	vperm.xlane v7, v1;
	_ =	sdelay $0x1  }
0x50: {  	v8 =	vsel vm0, $0x0, v8  }
0x51: {  	v7 =	vadd.f32 v8, v7;
	_ =	sdelay $0x1  }
0x52: {  	v8 =	vperm.xlane v7, v2;
	_ =	sdelay $0x1  }
0x53: {  	v8 =	vsel vm1, $0x0, v8  }
0x54: {  	v7 =	vadd.f32 v8, v7;
	_ =	sdelay $0x1  }
0x55: {  	v8 =	vperm.xlane v7, v4;
	_ =	sdelay $0x1  }
0x56: {  	v8 =	vsel vm2, $0x0, v8  }
0x57: {  	v7 =	vadd.f32 v8, v7;
	_ =	sdelay $0x1  }
0x58: {  	v6 =	vadd.f32 v7, v6;
	_ =	sdelay $0x1  }
0x59: {  	s31 =	simm.s32 $0x0;
	[tilespmem:s16+$0x0] =	vst v6  }
0x5a: {  	[hbm4b:s6+s12] =	stream.strided.scatter [tilespmem:s31], [sflag:$0x1], $0x8000, s13, s12, $0x38;
	[tilespmem:$0x8000] =	vst v63  }
0x5b: {  	_ =	swait.ge [sflag:s14], $0x8000  }
0x5c: {  	[sflag:s14] =	ssyncset.done $0x0  }
0x5d: {  	[sflag:s14] =	ssyncadd.s32 $0xFFFF8000  }
0x5e: {  	[tilespmem:s31], [sflag:$0x1] =	stream.strided.gather [hbm4b:s7+s12], $0x8000, s13, s12, $0x38;
	[tilespmem:$0x8000] =	vst v63  }
0x5f: {  	_ =	swait.ge [sflag:s14], $0x8000  }
0x60: {  	[sflag:s14] =	ssyncset.done $0x0  }
0x61: {  	s17 =	simm.s32 $0x40;
	v6 =	vimm.f32 $0.0e+00;
	s16 =	simm.s32 $0x0;
	[sflag:s14] =	ssyncadd.s32 $0xFFFF8000  }
.LBB2_6:
0x62: {  	p0 =	sne.s32 s17, $0x1FFC0;
	v7 =	vld [tilespmem:s16+$0x0];
	_ =	sdelay $0x4  }
0x63: {  	v8 =	vperm.xlane v7, v0  }
0x64: {  	vm3 =	veq.s32 v3, $0x0  }
0x65: {  	v8 =	vsel vm3, $0x0, v8  }
0x66: {  	v7 =	vadd.f32 v8, v7;
	_ =	sdelay $0x1  }
0x67: {  	v8 =	vperm.xlane v7, v1;
	_ =	sdelay $0x1  }
0x68: {  	v8 =	vsel vm0, $0x0, v8  }
0x69: {  	v7 =	vadd.f32 v8, v7;
	_ =	sdelay $0x1  }
0x6a: {  	v8 =	vperm.xlane v7, v2;
	_ =	sdelay $0x1  }
0x6b: {  	v8 =	vsel vm1, $0x0, v8  }
0x6c: {  	v7 =	vadd.f32 v8, v7;
	_ =	sdelay $0x1  }
0x6d: {  	v8 =	vperm.xlane v7, v4;
	_ =	sdelay $0x1  }
0x6e: {  	v8 =	vsel vm2, $0x0, v8  }
.Ltmp2:
0x6f: {  	v7 =	vadd.f32 v8, v7;
	(pc) =	sbr.rel @p0 .LBB2_6-.Ltmp2, $3  }
0x70: {  	_ = 	snop  }
0x71: {  	v6 =	vadd.f32 v7, v6;
	_ =	sdelay $0x1  }
0x72: {  	[tilespmem:s16+$0x0] =	vst v6;
	s16 =	sshra.s32 s17, $0x2;
	s17 =	sadd.s32 $0x40, s17;
	v6 =	vperm.xlane v6, v5  }
0x73: {  	v7 =	vld [tilespmem:s16+$0x0];
	_ =	sdelay $0x4  }
0x74: {  	v8 =	vperm.xlane v7, v0;
	_ =	sdelay $0x1  }
0x75: {  	v8 =	vsel vm3, $0x0, v8  }
0x76: {  	v7 =	vadd.f32 v8, v7;
	_ =	sdelay $0x1  }
0x77: {  	v8 =	vperm.xlane v7, v1;
	_ =	sdelay $0x1  }
0x78: {  	v8 =	vsel vm0, $0x0, v8  }
0x79: {  	v7 =	vadd.f32 v8, v7;
	_ =	sdelay $0x1  }
0x7a: {  	v8 =	vperm.xlane v7, v2;
	_ =	sdelay $0x1  }
0x7b: {  	v8 =	vsel vm1, $0x0, v8  }
0x7c: {  	v7 =	vadd.f32 v8, v7;
	_ =	sdelay $0x1  }
0x7d: {  	v8 =	vperm.xlane v7, v4;
	_ =	sdelay $0x1  }
0x7e: {  	v8 =	vsel vm2, $0x0, v8  }
0x7f: {  	v7 =	vadd.f32 v8, v7;
	_ =	sdelay $0x1  }
0x80: {  	v6 =	vadd.f32 v7, v6;
	_ =	sdelay $0x1  }
0x81: {  	s31 =	simm.s32 $0x0;
	[tilespmem:s16+$0x0] =	vst v6  }
0x82: {  	[hbm4b:s8+s12] =	stream.strided.scatter [tilespmem:s31], [sflag:$0x1], $0x8000, s13, s12, $0x38;
	[tilespmem:$0x8000] =	vst v63  }
0x83: {  	_ =	swait.ge [sflag:s14], $0x8000  }
0x84: {  	[sflag:s14] =	ssyncset.done $0x0  }
0x85: {  	[sflag:s14] =	ssyncadd.s32 $0xFFFF8000  }
0x86: {  	[tilespmem:s31], [sflag:$0x1] =	stream.strided.gather [hbm4b:s9+s12], $0x8000, s13, s12, $0x38;
	[tilespmem:$0x8000] =	vst v63  }
0x87: {  	_ =	swait.ge [sflag:s14], $0x8000  }
0x88: {  	[sflag:s14] =	ssyncset.done $0x0  }
0x89: {  	s17 =	simm.s32 $0x40;
	v6 =	vimm.f32 $0.0e+00;
	s16 =	simm.s32 $0x0;
	[sflag:s14] =	ssyncadd.s32 $0xFFFF8000  }
.LBB2_8:
0x8a: {  	p0 =	sne.s32 s17, $0x1FFC0;
	v7 =	vld [tilespmem:s16+$0x0];
	_ =	sdelay $0x4  }
0x8b: {  	v8 =	vperm.xlane v7, v0  }
0x8c: {  	vm3 =	veq.s32 v3, $0x0  }
0x8d: {  	v8 =	vsel vm3, $0x0, v8  }
0x8e: {  	v7 =	vadd.f32 v8, v7;
	_ =	sdelay $0x1  }
0x8f: {  	v8 =	vperm.xlane v7, v1;
	_ =	sdelay $0x1  }
0x90: {  	v8 =	vsel vm0, $0x0, v8  }
0x91: {  	v7 =	vadd.f32 v8, v7;
	_ =	sdelay $0x1  }
0x92: {  	v8 =	vperm.xlane v7, v2;
	_ =	sdelay $0x1  }
0x93: {  	v8 =	vsel vm1, $0x0, v8  }
0x94: {  	v7 =	vadd.f32 v8, v7;
	_ =	sdelay $0x1  }
0x95: {  	v8 =	vperm.xlane v7, v4;
	_ =	sdelay $0x1  }
0x96: {  	v8 =	vsel vm2, $0x0, v8  }
.Ltmp3:
0x97: {  	v7 =	vadd.f32 v8, v7;
	(pc) =	sbr.rel @p0 .LBB2_8-.Ltmp3, $3  }
0x98: {  	_ = 	snop  }
0x99: {  	v6 =	vadd.f32 v7, v6;
	_ =	sdelay $0x1  }
0x9a: {  	[tilespmem:s16+$0x0] =	vst v6;
	s16 =	sshra.s32 s17, $0x2;
	s17 =	sadd.s32 $0x40, s17;
	v6 =	vperm.xlane v6, v5  }
0x9b: {  	v7 =	vld [tilespmem:s16+$0x0];
	_ =	sdelay $0x4  }
0x9c: {  	v8 =	vperm.xlane v7, v0;
	_ =	sdelay $0x1  }
0x9d: {  	v8 =	vsel vm3, $0x0, v8  }
0x9e: {  	v7 =	vadd.f32 v8, v7;
	_ =	sdelay $0x1  }
0x9f: {  	v8 =	vperm.xlane v7, v1;
	_ =	sdelay $0x1  }
0xa0: {  	v8 =	vsel vm0, $0x0, v8  }
0xa1: {  	v7 =	vadd.f32 v8, v7;
	_ =	sdelay $0x1  }
0xa2: {  	v8 =	vperm.xlane v7, v2;
	_ =	sdelay $0x1  }
0xa3: {  	v8 =	vsel vm1, $0x0, v8  }
0xa4: {  	v7 =	vadd.f32 v8, v7;
	_ =	sdelay $0x1  }
0xa5: {  	v8 =	vperm.xlane v7, v4;
	_ =	sdelay $0x1  }
0xa6: {  	v8 =	vsel vm2, $0x0, v8  }
0xa7: {  	v7 =	vadd.f32 v8, v7;
	_ =	sdelay $0x1  }
0xa8: {  	s15 =	sadd.s32 $0x1, s15;
	v6 =	vadd.f32 v7, v6  }
0xa9: {  	p0 =	sne.s32 s15, s11  }
.Ltmp4:
0xaa: {  	[tilespmem:s16+$0x0] =	vst v6;
	(pc) =	sbr.rel @p0 .LBB2_1-.Ltmp4, $4  }
0xab: {  	[hbm4b:s10+s12] =	stream.strided.scatter [tilespmem:s2], [sflag:$0x1], $0x8000, s13, s12, $0x38;
	[tilespmem:$0x8000] =	vst v63  }
0xac: {  	_ =	swait.ge [sflag:s14], $0x8000  }
0xad: {  	[sflag:s14] =	ssyncset.done $0x0  }
0xae: {  	[sflag:s14] =	ssyncadd.s32 $0xFFFF8000  }
0xaf: {  	_ =	sfence.sel $0x180000  }
0xb0: {  	[bflag:$0x0] =	sbarrier.arrive $0xFFFF  }
0xb1: {  	p0 =	sne.s32 s1, $0x0;
	_ =	strace $0x90000047  }
0xb2: {  	s0 =	sadd.s32 @!p0 $0x100000, s0;
	[bflag:$0x2] =	sbarrier.arrive $0xFFFF  }
0xb3: {  	[sflag:s0] =	ssyncadd.tile.s32 @!p0 $0x1;
	_ =	shalt  }
.Lfunc_end2:
_tile_overlayer_lowered:
.L_overlay_start_2:
0xb4: {  	(tag) =	ssettag $0x2  }
0xb5: {  	s0 =	rddreg [dreg:$0x0];
	s2 =	stileid.u32  }
0xb6: {  	s1 =	rddreg [dreg:$0x1];
	p0 =	sne.s32 s2, $0x0  }
0xb7: {  	s3 =	rddreg [dreg:$0x2];
	[bflag:$0x3] =	sbarrier.arrive $0xFFFF;
	s2 =	simm.s32 @!p0 $0x1C01  }
0xb8: {  	[timem:s3], [sflag:s2] =	dma.local @!p0 [hbm:s0], s1  }
0xb9: {  	s0 =	simm.s32 @!p0 $0x1  }
0xba: {  	_ =	swait.ge @!p0 [sflag:s0], s1  }
0xbb: {  	s1 =	ssub.s32 @!p0 $0x0, s1;
	[sflag:s0] =	ssyncset.done @!p0 $0x0  }
0xbc: {  	[sflag:s0] =	ssyncadd.s32 @!p0 s1  }
0xbd: {  	[bflag:$0x3] =	sbarrier.arrive $0xFFFF  }
0xbe: {  	_ =	shalt  }

</sc_bundles>
